<compile_context>
chip_gen: v7x
topology: tpu7x:2x2x1
jax: 0.10.2.dev20260603
libtpu: 0.0.44.dev20260713+nightly
codegen_flags: <defaults>
</compile_context>

<pallas_src>
import functools

import jax
import jax.numpy as jnp
from jax import lax
from jax.experimental import pallas as pl
from jax.experimental.pallas import tpu as pltpu
from jax.experimental.pallas import tpu_sc as plsc

Q = 1024
D = 64
K_DB = 100000
NUM_CLASSES = 1000
TOP_K = 10

K_BLK = 2048
NKB = -(-K_DB // K_BLK)
K_PAD = K_BLK * NKB

OUT_PAD = 1024
INT_MAX = 2**31 - 1
NEG_INF = float("-inf")


Q_BLK = 1024
NQB = Q // Q_BLK
CAND_W = 32


def _topk_body(ypred_ref, feats_ref, out_ref,
               sim_ref, cv_ref, ci_ref, nv_ref, ni_ref):
    k = pl.program_id(1)

    @pl.when(k == 0)
    def _init():
        cv_ref[...] = jnp.full((Q_BLK, CAND_W), NEG_INF, jnp.float32)
        ci_ref[...] = jnp.full((Q_BLK, CAND_W), INT_MAX, jnp.int32)

    gcol = lax.broadcasted_iota(jnp.int32, (Q_BLK, K_BLK), 1) + k * K_BLK
    sim = lax.dot_general(
        ypred_ref[...], feats_ref[...],
        (((1,), (1,)), ((), ())),
        preferred_element_type=jnp.float32,
    )

    @pl.when(k == NKB - 1)
    def _store_masked():
        sim_ref[...] = jnp.where(gcol < K_DB, sim, NEG_INF)

    @pl.when(k < NKB - 1)
    def _store_plain():
        sim_ref[...] = sim

    lanec = lax.broadcasted_iota(jnp.int32, (Q_BLK, CAND_W), 1)
    lane16 = lax.broadcasted_iota(jnp.int32, (Q_BLK, 16), 1)

    thresh = cv_ref[:, 9:10]

    def pass_cond(state):
        t, m = state
        return jnp.logical_and(t < TOP_K, jnp.any(m > thresh))

    def pass_body(state):
        t, m = state
        s = sim_ref[...]
        sel = jnp.min(jnp.where(s == m, gcol, INT_MAX), axis=1, keepdims=True)
        s = jnp.where(gcol == sel, NEG_INF, s)
        sim_ref[...] = s
        cv_ref[...] = jnp.where(lanec == 16 + t, m, cv_ref[...])
        ci_ref[...] = jnp.where(lanec == 16 + t, sel, ci_ref[...])
        return t + 1, jnp.max(s, axis=1, keepdims=True)

    m0 = jnp.max(sim_ref[...], axis=1, keepdims=True)
    tf, _ = lax.while_loop(pass_cond, pass_body, (jnp.int32(0), m0))
    contributed = tf > 0

    @pl.when(contributed)
    def _merge():
        nv_ref[...] = jnp.full((Q_BLK, 16), NEG_INF, jnp.float32)
        ni_ref[...] = jnp.full((Q_BLK, 16), INT_MAX, jnp.int32)

        def merge_body(t, carry):
            cv = cv_ref[...]
            ci = ci_ref[...]
            m = jnp.max(cv, axis=1, keepdims=True)
            sel = jnp.min(jnp.where(cv == m, ci, INT_MAX), axis=1,
                          keepdims=True)
            cv_ref[...] = jnp.where(ci == sel, NEG_INF, cv)
            nv_ref[...] = jnp.where(lane16 == t, m, nv_ref[...])
            ni_ref[...] = jnp.where(lane16 == t, sel, ni_ref[...])
            return carry

        lax.fori_loop(0, TOP_K, merge_body, 0)

        cv_ref[...] = jnp.concatenate(
            [nv_ref[...], jnp.full((Q_BLK, 16), NEG_INF, jnp.float32)], axis=1)
        ci_ref[...] = jnp.concatenate(
            [ni_ref[...], jnp.full((Q_BLK, 16), INT_MAX, jnp.int32)], axis=1)

    @pl.when(k == NKB - 1)
    def _emit():
        g = ni_ref[...]
        out_ref[...] = jnp.where(lane16 < TOP_K, g,
                                 jnp.broadcast_to(g[:, :1], (Q_BLK, 16)))


def _topk_call(y_pred, feats_pad, interpret=False):
    return pl.pallas_call(
        _topk_body,
        grid=(NQB, NKB),
        in_specs=[
            pl.BlockSpec((Q_BLK, D), lambda q, k: (q, 0)),
            pl.BlockSpec((K_BLK, D), lambda q, k: (k, 0)),
        ],
        out_specs=pl.BlockSpec((Q_BLK, 16), lambda q, k: (q, 0)),
        out_shape=jax.ShapeDtypeStruct((Q, 16), jnp.int32),
        scratch_shapes=[
            pltpu.VMEM((Q_BLK, K_BLK), jnp.float32),
            pltpu.VMEM((Q_BLK, 32), jnp.float32),
            pltpu.VMEM((Q_BLK, 32), jnp.int32),
            pltpu.VMEM((Q_BLK, 16), jnp.float32),
            pltpu.VMEM((Q_BLK, 16), jnp.int32),
        ],
        compiler_params=pltpu.CompilerParams(
            dimension_semantics=("arbitrary", "arbitrary"),
        ),
        interpret=interpret,
    )(y_pred, feats_pad)


def _make_scatter_call():
    info = plsc.get_sparse_core_info()
    nc, ns = info.num_cores, info.num_subcores
    nw = nc * ns
    qpw = Q // nw
    mesh = plsc.VectorSubcoreMesh(core_axis_name="c", subcore_axis_name="s")

    @functools.partial(
        pl.kernel,
        mesh=mesh,
        out_type=jax.ShapeDtypeStruct((Q, OUT_PAD), jnp.float32),
        scratch_types=[
            pltpu.VMEM((K_DB,), jnp.int32),
            pltpu.VMEM((qpw, 16), jnp.int32),
            pltpu.VMEM((OUT_PAD,), jnp.float32),
        ],
        compiler_params=pltpu.CompilerParams(needs_layout_passes=False),
    )
    def scatter_kernel(idx_hbm, y_hbm, out_hbm, ytile, idxv, row):
        wid = lax.axis_index("s") * nc + lax.axis_index("c")
        base = wid * qpw
        pltpu.sync_copy(y_hbm, ytile)
        pltpu.sync_copy(idx_hbm.at[pl.ds(base, qpw)], idxv)

        zeros16 = jnp.zeros((16,), jnp.float32)
        ones16 = jnp.ones((16,), jnp.float32)

        def zero_body(i, carry):
            row[pl.ds(i * 16, 16)] = zeros16
            return carry

        lax.fori_loop(0, OUT_PAD // 16, zero_body, 0)

        def q_body(q, carry):
            idx16 = idxv[q, :]
            labels = plsc.load_gather(ytile, [idx16])
            plsc.store_scatter(row, [labels], ones16)
            pltpu.sync_copy(row, out_hbm.at[base + q])
            plsc.store_scatter(row, [labels], zeros16)
            return carry

        lax.fori_loop(0, qpw, q_body, 0)

    return scatter_kernel


def kernel(y_pred, image_features, y):
    y_pred = y_pred / jnp.linalg.norm(y_pred, axis=-1, keepdims=True)
    feats_pad = jnp.zeros((K_PAD, D), jnp.float32).at[:K_DB].set(image_features)
    idx16 = _topk_call(y_pred, feats_pad)
    out_pad = _make_scatter_call()(idx16, y)
    return out_pad[:, :NUM_CLASSES]

# --- scband reference (transcript-rebuilt; emitter-appended) ---
"""Pipeline reference for scband-accuracy-pre-8418135900427 (READ-ONLY COPY).

The authoritative reference and input builder live on the scoring server;
editing this copy changes nothing except your own understanding.
"""

import jax, jax.numpy as jnp
import numpy as np

Q = 1024
D = 64
K_DB = 100000
NUM_CLASSES = 1000
TOP_K = 10

def setup_inputs(seed: int = 0) -> dict:
    key = jax.random.key(seed)
    k1, k2, k3 = jax.random.split(key, 3)
    y_pred = jax.random.normal(k1, (Q, D), dtype=jnp.float32)
    # learned/buffered database: image features (pre-normalized in __init__) and labels
    image_features = jax.random.normal(k2, (K_DB, D), dtype=jnp.float32)
    image_features = image_features / jnp.linalg.norm(image_features, axis=-1, keepdims=True)
    y = jax.random.randint(k3, (K_DB,), 0, NUM_CLASSES, dtype=jnp.int32)
    return {"y_pred": y_pred, "image_features": image_features, "y": y}

def reference(y_pred, image_features, y):
    # forward with object='speed' (default)
    y_pred = y_pred / jnp.linalg.norm(y_pred, axis=-1, keepdims=True)
    similarity = y_pred @ image_features.T                      # [Q, K_DB]
    sim_argsort = jnp.argsort(-similarity, axis=1)              # descending order
    pred = jnp.take(y, sim_argsort)                             # gather labels [Q, K_DB]
    top10 = pred[:, :10]                                        # top-10 neighbor labels
    rows = jnp.broadcast_to(jnp.arange(Q)[:, None], top10.shape)
    out = jnp.zeros((Q, NUM_CLASSES), dtype=jnp.float32).at[rows, top10].set(1.0)
    return out

if __name__ == "__main__":
    import jax
    _d = setup_inputs()
    print(jax.jit(kernel)(*tuple(_d.values())))

</pallas_src>

<mosaic_0001>
#map = affine_map<(d0, d1) -> (0, 0)>
#map1 = affine_map<(d0, d1) -> (0)>
module attributes {stable_mosaic.version = 14 : i64} {
  func.func @scatter_kernel(%arg0: i32, %arg1: i32, %arg2: memref<1024x16xi32, #tpu.memory_space<hbm>>, %arg3: memref<100000xi32, #tpu.memory_space<hbm>>, %arg4: memref<1024x1024xf32, #tpu.memory_space<hbm>>, %arg5: memref<100000xi32, #tpu.memory_space<vmem>>, %arg6: memref<32x16xi32, #tpu.memory_space<vmem>>, %arg7: memref<1024xf32, #tpu.memory_space<vmem>>) attributes {dimension_semantics = [#tpu.dimension_semantics<core_parallel>, #tpu.dimension_semantics<subcore_parallel>], iteration_bounds = array<i64: 2, 16>, scalar_prefetch = 0 : i64, scratch_operands = 3 : i64, tpu.core_type = #tpu.core_type<sc_vector_subcore>, window_params = [{transform_indices = #map}, {transform_indices = #map1}, {transform_indices = #map}]} {
    %mul3A = arith.constant 2 : i32
    %mul3A_0 = arith.muli %arg1, %mul3A : i32
    %add3A = arith.addi %mul3A_0, %arg0 : i32
    %mul3A_1 = arith.constant 32 : i32
    %mul3A_2 = arith.muli %add3A, %mul3A_1 : i32
    "tpu.region"() ({
      %run_scoped3A = tpu.sem_alloc : memref<!tpu.dma_semaphore, #tpu.memory_space<semaphore_mem>>
      tpu.enqueue_dma source(%arg3 : memref<100000xi32, #tpu.memory_space<hbm>>) target(%arg5 : memref<100000xi32, #tpu.memory_space<vmem>>) target_semaphore(%run_scoped3A : memref<!tpu.dma_semaphore, #tpu.memory_space<semaphore_mem>>)
      tpu.wait_dma2 semaphore(%run_scoped3A : memref<!tpu.dma_semaphore, #tpu.memory_space<semaphore_mem>>) src(%arg3 : memref<100000xi32, #tpu.memory_space<hbm>>) dst(%arg5 : memref<100000xi32, #tpu.memory_space<vmem>>)
      tpu.yield
    }) : () -> ()
    "tpu.region"() ({
      %run_scoped3A = tpu.sem_alloc : memref<!tpu.dma_semaphore, #tpu.memory_space<semaphore_mem>>
      %dma_start3A = arith.constant 0 : i32
      %dma_start3A_17 = tpu.memref_slice %arg2[%mul3A_2, %dma_start3A] : memref<1024x16xi32, #tpu.memory_space<hbm>> -> memref<32x16xi32, #tpu.memory_space<hbm>>
      %dma_start3A_18 = arith.constant 0 : i32
      %dma_start3A_19 = tpu.memref_slice %arg2[%mul3A_2, %dma_start3A_18] : memref<1024x16xi32, #tpu.memory_space<hbm>> -> memref<32x16xi32, #tpu.memory_space<hbm>>
      tpu.enqueue_dma source(%dma_start3A_19 : memref<32x16xi32, #tpu.memory_space<hbm>>) target(%arg6 : memref<32x16xi32, #tpu.memory_space<vmem>>) target_semaphore(%run_scoped3A : memref<!tpu.dma_semaphore, #tpu.memory_space<semaphore_mem>>)
      %dma_wait3A = arith.constant 0 : i32
      %dma_wait3A_20 = tpu.memref_slice %arg2[%mul3A_2, %dma_wait3A] : memref<1024x16xi32, #tpu.memory_space<hbm>> -> memref<32x16xi32, #tpu.memory_space<hbm>>
      %dma_wait3A_21 = arith.constant 0 : i32
      %dma_wait3A_22 = tpu.memref_slice %arg2[%mul3A_2, %dma_wait3A_21] : memref<1024x16xi32, #tpu.memory_space<hbm>> -> memref<32x16xi32, #tpu.memory_space<hbm>>
      tpu.wait_dma2 semaphore(%run_scoped3A : memref<!tpu.dma_semaphore, #tpu.memory_space<semaphore_mem>>) src(%dma_wait3A_22 : memref<32x16xi32, #tpu.memory_space<hbm>>) dst(%arg6 : memref<32x16xi32, #tpu.memory_space<vmem>>)
      tpu.yield
    }) : () -> ()
    %broadcast_in_dim3A = arith.constant 0.000000e+00 : f32
    %broadcast_in_dim3A_3 = vector.broadcast %broadcast_in_dim3A : f32 to vector<16xf32>
    %broadcast_in_dim3A_4 = arith.constant 1.000000e+00 : f32
    %broadcast_in_dim3A_5 = vector.broadcast %broadcast_in_dim3A_4 : f32 to vector<16xf32>
    %scan3A = arith.constant 0 : i32
    %scan3A_6 = arith.constant 0 : i32
    %scan3A_7 = arith.constant 64 : i32
    %scan3A_8 = arith.addi %scan3A_6, %scan3A_7 : i32
    %scan3A_9 = arith.constant 1 : i32
    scf.for %scan3A_17 = %scan3A_6 to %scan3A_8 step %scan3A_9  : i32 {
      %mul3A_18 = arith.constant 16 : i32
      %mul3A_19 = arith.muli %scan3A_17, %mul3A_18 : i32
      %swap3A = arith.index_cast %mul3A_19 : i32 to index
      %swap3A_20 = tpu.vector_load %arg7[%swap3A] {strides = array<i32>} : memref<1024xf32, #tpu.memory_space<vmem>>, vector<16xf32>,
      tpu.vector_store %arg7[%swap3A], %broadcast_in_dim3A_3 {strides = array<i32>} : memref<1024xf32, #tpu.memory_space<vmem>>, vector<16xf32>,
    }
    %scan3A_10 = arith.constant 64 : i32
    %scan3A_11 = arith.constant 0 : i32
    %scan3A_12 = arith.constant 0 : i32
    %scan3A_13 = arith.constant 32 : i32
    %scan3A_14 = arith.addi %scan3A_12, %scan3A_13 : i32
    %scan3A_15 = arith.constant 1 : i32
    scf.for %scan3A_17 = %scan3A_12 to %scan3A_14 step %scan3A_15  : i32 {
      %get3A = arith.index_cast %scan3A_17 : i32 to index
      %get3A_18 = arith.constant 0 : index
      %get3A_19 = tpu.vector_load %arg6[%get3A, %get3A_18] {strides = array<i32>} : memref<32x16xi32, #tpu.memory_space<vmem>>, vector<16xi32>,
      %gather3A = tpu.vector_load_idx %arg5[%get3A_19] : memref<100000xi32, #tpu.memory_space<vmem>>[vector<16xi32>], vector<16xi32>,
      tpu.vector_store_idx %arg7[%gather3A], %broadcast_in_dim3A_5 : memref<1024xf32, #tpu.memory_space<vmem>>[vector<16xi32>], vector<16xf32>,
      %add3A_20 = arith.addi %mul3A_2, %scan3A_17 : i32
      "tpu.region"() ({
        %run_scoped3A = tpu.sem_alloc : memref<!tpu.dma_semaphore, #tpu.memory_space<semaphore_mem>>
        %dma_start3A = arith.constant 0 : i32
        %dma_start3A_21 = tpu.memref_slice %arg4[%add3A_20, %dma_start3A] : memref<1024x1024xf32, #tpu.memory_space<hbm>> -> memref<1x1024xf32, #tpu.memory_space<hbm>>
        %dma_start3A_22 = tpu.memref_squeeze %dma_start3A_21 : memref<1x1024xf32, #tpu.memory_space<hbm>> -> memref<1024xf32, #tpu.memory_space<hbm>>
        %dma_start3A_23 = arith.constant 0 : i32
        %dma_start3A_24 = tpu.memref_slice %arg4[%add3A_20, %dma_start3A_23] : memref<1024x1024xf32, #tpu.memory_space<hbm>> -> memref<1x1024xf32, #tpu.memory_space<hbm>>
        %dma_start3A_25 = tpu.memref_squeeze %dma_start3A_24 : memref<1x1024xf32, #tpu.memory_space<hbm>> -> memref<1024xf32, #tpu.memory_space<hbm>>
        tpu.enqueue_dma source(%arg7 : memref<1024xf32, #tpu.memory_space<vmem>>) target(%dma_start3A_25 : memref<1024xf32, #tpu.memory_space<hbm>>) target_semaphore(%run_scoped3A : memref<!tpu.dma_semaphore, #tpu.memory_space<semaphore_mem>>)
        %dma_wait3A = arith.constant 0 : i32
        %dma_wait3A_26 = tpu.memref_slice %arg4[%add3A_20, %dma_wait3A] : memref<1024x1024xf32, #tpu.memory_space<hbm>> -> memref<1x1024xf32, #tpu.memory_space<hbm>>
        %dma_wait3A_27 = tpu.memref_squeeze %dma_wait3A_26 : memref<1x1024xf32, #tpu.memory_space<hbm>> -> memref<1024xf32, #tpu.memory_space<hbm>>
        %dma_wait3A_28 = arith.constant 0 : i32
        %dma_wait3A_29 = tpu.memref_slice %arg4[%add3A_20, %dma_wait3A_28] : memref<1024x1024xf32, #tpu.memory_space<hbm>> -> memref<1x1024xf32, #tpu.memory_space<hbm>>
        %dma_wait3A_30 = tpu.memref_squeeze %dma_wait3A_29 : memref<1x1024xf32, #tpu.memory_space<hbm>> -> memref<1024xf32, #tpu.memory_space<hbm>>
        tpu.wait_dma2 semaphore(%run_scoped3A : memref<!tpu.dma_semaphore, #tpu.memory_space<semaphore_mem>>) src(%arg7 : memref<1024xf32, #tpu.memory_space<vmem>>) dst(%dma_wait3A_30 : memref<1024xf32, #tpu.memory_space<hbm>>)
        tpu.yield
      }) : () -> ()
      tpu.vector_store_idx %arg7[%gather3A], %broadcast_in_dim3A_3 : memref<1024xf32, #tpu.memory_space<vmem>>[vector<16xi32>], vector<16xf32>,
    }
    %scan3A_16 = arith.constant 32 : i32
    return
  }
}

module attributes {stable_mosaic.version = 14 : i64} {
  func.func @_topk_body(%arg0: i32, %arg1: i32, %arg2: memref<1024x64xf32, #tpu.memory_space<vmem>>, %arg3: memref<2048x64xf32, #tpu.memory_space<vmem>>, %arg4: memref<1024x16xi32, #tpu.memory_space<vmem>>, %arg5: memref<1024x2048xf32, #tpu.memory_space<vmem>>, %arg6: memref<1024x32xf32, #tpu.memory_space<vmem>>, %arg7: memref<1024x32xi32, #tpu.memory_space<vmem>>, %arg8: memref<1024x16xf32, #tpu.memory_space<vmem>>, %arg9: memref<1024x16xi32, #tpu.memory_space<vmem>>) attributes {dimension_semantics = [#tpu.dimension_semantics<arbitrary>, #tpu.dimension_semantics<arbitrary>], iteration_bounds = array<i64: 1, 49>, scalar_prefetch = 0 : i64, scratch_operands = 5 : i64, tpu.core_type = #tpu.core_type<tc>, window_params = [{transform_indices = @transform_0, window_bounds = array<i64: 1024, 64>}, {transform_indices = @transform_1, window_bounds = array<i64: 2048, 64>}, {transform_indices = @transform_2, window_bounds = array<i64: 1024, 16>}]} {
    %eq3A = arith.constant 0 : i32
    %eq3A_0 = arith.cmpi eq, %arg1, %eq3A : i32
    %convert_element_type3A = arith.extui %eq3A_0 : i1 to i32
    %cond3A = arith.constant 0 : i32
    %cond3A_1 = arith.cmpi ne, %convert_element_type3A, %cond3A : i32
    scf.if %cond3A_1 {
      %broadcast_in_dim3A_38 = arith.constant 0xFF800000 : f32
      %broadcast_in_dim3A_39 = vector.broadcast %broadcast_in_dim3A_38 : f32 to vector<1024x32xf32>
      %swap3A = arith.constant 0 : index
      %swap3A_40 = arith.constant 0 : index
      %swap3A_41 = vector.load %arg6[%swap3A, %swap3A_40] : memref<1024x32xf32, #tpu.memory_space<vmem>>, vector<1024x32xf32>
      tpu.vector_store %arg6[%swap3A, %swap3A_40], %broadcast_in_dim3A_39 {strides = array<i32>} : memref<1024x32xf32, #tpu.memory_space<vmem>>, vector<1024x32xf32>,
      %broadcast_in_dim3A_42 = arith.constant 2147483647 : i32
      %broadcast_in_dim3A_43 = vector.broadcast %broadcast_in_dim3A_42 : i32 to vector<1024x32xi32>
      %swap3A_44 = arith.constant 0 : index
      %swap3A_45 = arith.constant 0 : index
      %swap3A_46 = vector.load %arg7[%swap3A_44, %swap3A_45] : memref<1024x32xi32, #tpu.memory_space<vmem>>, vector<1024x32xi32>
      tpu.vector_store %arg7[%swap3A_44, %swap3A_45], %broadcast_in_dim3A_43 {strides = array<i32>} : memref<1024x32xi32, #tpu.memory_space<vmem>>, vector<1024x32xi32>,
    } else {
    }
    %iota3A = tpu.iota {dimensions = array<i32: 1>} : vector<1024x2048xi32>
    %mul3A = arith.constant 2048 : i32
    %mul3A_2 = arith.muli %arg1, %mul3A : i32
    %add3A = vector.broadcast %mul3A_2 : i32 to vector<1024x2048xi32>
    %add3A_3 = arith.addi %iota3A, %add3A : vector<1024x2048xi32>
    %get3A = arith.constant 0 : index
    %get3A_4 = arith.constant 0 : index
    %get3A_5 = vector.load %arg2[%get3A, %get3A_4] : memref<1024x64xf32, #tpu.memory_space<vmem>>, vector<1024x64xf32>
    %get3A_6 = arith.constant 0 : index
    %get3A_7 = arith.constant 0 : index
    %get3A_8 = vector.load %arg3[%get3A_6, %get3A_7] : memref<2048x64xf32, #tpu.memory_space<vmem>>, vector<2048x64xf32>
    %dot_general3A = arith.constant dense<0.000000e+00> : vector<1024x2048xf32>
    %dot_general3A_9 = tpu.matmul %get3A_5, %get3A_8, %dot_general3A {dimension_numbers = #tpu.dot_dimension_numbers<[1], [1], [0], [0], [0, 0, 1, 0], [], []>, transpose_lhs_hint = false} : vector<1024x64xf32>, vector<2048x64xf32>, vector<1024x2048xf32> -> vector<1024x2048xf32>
    %eq3A_10 = arith.constant 48 : i32
    %eq3A_11 = arith.cmpi eq, %arg1, %eq3A_10 : i32
    %convert_element_type3A_12 = arith.extui %eq3A_11 : i1 to i32
    %cond3A_13 = arith.constant 0 : i32
    %cond3A_14 = arith.cmpi ne, %convert_element_type3A_12, %cond3A_13 : i32
    scf.if %cond3A_14 {
      %lt3A_38 = arith.constant 100000 : i32
      %lt3A_39 = vector.broadcast %lt3A_38 : i32 to vector<1024x2048xi32>
      %lt3A_40 = arith.cmpi slt, %add3A_3, %lt3A_39 : vector<1024x2048xi32>
      %jit3A = arith.constant 0xFF800000 : f32
      %broadcast_in_dim3A_41 = vector.broadcast %jit3A : f32 to vector<1024x2048xf32>
      %select_n3A = arith.select %lt3A_40, %dot_general3A_9, %broadcast_in_dim3A_41 : vector<1024x2048xi1>, vector<1024x2048xf32>
      %swap3A = arith.constant 0 : index
      %swap3A_42 = arith.constant 0 : index
      %swap3A_43 = vector.load %arg5[%swap3A, %swap3A_42] : memref<1024x2048xf32, #tpu.memory_space<vmem>>, vector<1024x2048xf32>
      tpu.vector_store %arg5[%swap3A, %swap3A_42], %select_n3A {strides = array<i32>} : memref<1024x2048xf32, #tpu.memory_space<vmem>>, vector<1024x2048xf32>,
    } else {
    }
    %lt3A = arith.constant 48 : i32
    %lt3A_15 = arith.cmpi slt, %arg1, %lt3A : i32
    %convert_element_type3A_16 = arith.extui %lt3A_15 : i1 to i32
    %cond3A_17 = arith.constant 0 : i32
    %cond3A_18 = arith.cmpi ne, %convert_element_type3A_16, %cond3A_17 : i32
    scf.if %cond3A_18 {
      %swap3A = arith.constant 0 : index
      %swap3A_38 = arith.constant 0 : index
      %swap3A_39 = vector.load %arg5[%swap3A, %swap3A_38] : memref<1024x2048xf32, #tpu.memory_space<vmem>>, vector<1024x2048xf32>
      tpu.vector_store %arg5[%swap3A, %swap3A_38], %dot_general3A_9 {strides = array<i32>} : memref<1024x2048xf32, #tpu.memory_space<vmem>>, vector<1024x2048xf32>,
    } else {
    }
    %iota3A_19 = tpu.iota {dimensions = array<i32: 1>} : vector<1024x32xi32>
    %iota3A_20 = tpu.iota {dimensions = array<i32: 1>} : vector<1024x16xi32>
    %get3A_21 = arith.constant 0 : index
    %get3A_22 = arith.constant 9 : index
    %get3A_23 = vector.load %arg6[%get3A_21, %get3A_22] : memref<1024x32xf32, #tpu.memory_space<vmem>>, vector<1024x1xf32>
    %get3A_24 = arith.constant 0 : index
    %get3A_25 = arith.constant 0 : index
    %get3A_26 = vector.load %arg5[%get3A_24, %get3A_25] : memref<1024x2048xf32, #tpu.memory_space<vmem>>, vector<1024x2048xf32>
    %reduce_max3A = arith.constant dense<0xFF800000> : vector<1024xf32>
    %reduce_max3A_27 = vector.multi_reduction <maximumf>, %get3A_26, %reduce_max3A [1] : vector<1024x2048xf32> to vector<1024xf32>
    %broadcast_in_dim3A = vector.shape_cast %reduce_max3A_27 : vector<1024xf32> to vector<1024x1xf32>
    %while3A = arith.constant 0 : i32
    %while3A_28:2 = scf.while (%while3A_38 = %while3A, %while3A_39 = %broadcast_in_dim3A) : (i32, vector<1024x1xf32>) -> (i32, vector<1024x1xf32>) {
      %lt3A_40 = arith.constant 10 : i32
      %lt3A_41 = arith.cmpi slt, %while3A_38, %lt3A_40 : i32
      %gt3A_42 = arith.cmpf ogt, %while3A_39, %get3A_23 : vector<1024x1xf32>
      %reduce_or3A = arith.constant 1.000000e+00 : f32
      %reduce_or3A_43 = arith.constant 0.000000e+00 : f32
      %reduce_or3A_44 = vector.broadcast %reduce_or3A : f32 to vector<1024x1xf32>
      %reduce_or3A_45 = vector.broadcast %reduce_or3A_43 : f32 to vector<1024x1xf32>
      %reduce_or3A_46 = arith.select %gt3A_42, %reduce_or3A_44, %reduce_or3A_45 : vector<1024x1xi1>, vector<1024x1xf32>
      %reduce_or3A_47 = vector.shape_cast %reduce_or3A_46 : vector<1024x1xf32> to vector<1x1024x1xf32>
      %reduce_or3A_48 = arith.constant dense<0xFF800000> : vector<1xf32>
      %reduce_or3A_49 = vector.multi_reduction <maximumf>, %reduce_or3A_47, %reduce_or3A_48 [1, 2] : vector<1x1024x1xf32> to vector<1xf32>
      %reduce_or3A_50 = vector.shape_cast %reduce_or3A_49 : vector<1xf32> to vector<1x1x1xf32>
      %reduce_or3A_51 = vector.extract %reduce_or3A_50[0, 0, 0] : f32 from vector<1x1x1xf32>
      %reduce_or3A_52 = arith.constant 0.000000e+00 : f32
      %reduce_or3A_53 = arith.cmpf ogt, %reduce_or3A_51, %reduce_or3A_52 : f32
      %and3A = arith.andi %lt3A_41, %reduce_or3A_53 : i1
      scf.condition(%and3A) %while3A_38, %while3A_39 : i32, vector<1024x1xf32>
    } do {
    ^bb0(%while3A_38: i32, %while3A_39: vector<1024x1xf32>):
      %get3A_40 = arith.constant 0 : index
      %get3A_41 = arith.constant 0 : index
      %get3A_42 = vector.load %arg5[%get3A_40, %get3A_41] : memref<1024x2048xf32, #tpu.memory_space<vmem>>, vector<1024x2048xf32>
      %eq3A_43 = vector.broadcast %while3A_39 : vector<1024x1xf32> to vector<1024x2048xf32>
      %eq3A_44 = arith.cmpf oeq, %get3A_42, %eq3A_43 : vector<1024x2048xf32>
      %jit3A = arith.constant 2147483647 : i32
      %broadcast_in_dim3A_45 = vector.broadcast %jit3A : i32 to vector<1024x2048xi32>
      %select_n3A = arith.select %eq3A_44, %add3A_3, %broadcast_in_dim3A_45 : vector<1024x2048xi1>, vector<1024x2048xi32>
      %reduce_min3A = arith.constant dense<2147483647> : vector<1024xi32>
      %reduce_min3A_46 = vector.multi_reduction <minsi>, %select_n3A, %reduce_min3A [1] : vector<1024x2048xi32> to vector<1024xi32>
      %broadcast_in_dim3A_47 = vector.shape_cast %reduce_min3A_46 : vector<1024xi32> to vector<1024x1xi32>
      %eq3A_48 = vector.broadcast %broadcast_in_dim3A_47 : vector<1024x1xi32> to vector<1024x2048xi32>
      %eq3A_49 = arith.cmpi eq, %add3A_3, %eq3A_48 : vector<1024x2048xi32>
      %jit3A_50 = arith.constant 0xFF800000 : f32
      %broadcast_in_dim3A_51 = vector.broadcast %jit3A_50 : f32 to vector<1024x2048xf32>
      %select_n3A_52 = arith.select %eq3A_49, %broadcast_in_dim3A_51, %get3A_42 : vector<1024x2048xi1>, vector<1024x2048xf32>
      %swap3A = arith.constant 0 : index
      %swap3A_53 = arith.constant 0 : index
      %swap3A_54 = vector.load %arg5[%swap3A, %swap3A_53] : memref<1024x2048xf32, #tpu.memory_space<vmem>>, vector<1024x2048xf32>
      tpu.vector_store %arg5[%swap3A, %swap3A_53], %select_n3A_52 {strides = array<i32>} : memref<1024x2048xf32, #tpu.memory_space<vmem>>, vector<1024x2048xf32>,
      %add3A_55 = arith.constant 16 : i32
      %add3A_56 = arith.addi %add3A_55, %while3A_38 : i32
      %eq3A_57 = vector.broadcast %add3A_56 : i32 to vector<1024x32xi32>
      %eq3A_58 = arith.cmpi eq, %iota3A_19, %eq3A_57 : vector<1024x32xi32>
      %get3A_59 = arith.constant 0 : index
      %get3A_60 = arith.constant 0 : index
      %get3A_61 = vector.load %arg6[%get3A_59, %get3A_60] : memref<1024x32xf32, #tpu.memory_space<vmem>>, vector<1024x32xf32>
      %broadcast_in_dim3A_62 = vector.shape_cast %while3A_39 : vector<1024x1xf32> to vector<1024x1xf32>
      %broadcast_in_dim3A_63 = vector.broadcast %broadcast_in_dim3A_62 : vector<1024x1xf32> to vector<1024x32xf32>
      %select_n3A_64 = arith.select %eq3A_58, %broadcast_in_dim3A_63, %get3A_61 : vector<1024x32xi1>, vector<1024x32xf32>
      %swap3A_65 = arith.constant 0 : index
      %swap3A_66 = arith.constant 0 : index
      %swap3A_67 = vector.load %arg6[%swap3A_65, %swap3A_66] : memref<1024x32xf32, #tpu.memory_space<vmem>>, vector<1024x32xf32>
      tpu.vector_store %arg6[%swap3A_65, %swap3A_66], %select_n3A_64 {strides = array<i32>} : memref<1024x32xf32, #tpu.memory_space<vmem>>, vector<1024x32xf32>,
      %add3A_68 = arith.constant 16 : i32
      %add3A_69 = arith.addi %add3A_68, %while3A_38 : i32
      %eq3A_70 = vector.broadcast %add3A_69 : i32 to vector<1024x32xi32>
      %eq3A_71 = arith.cmpi eq, %iota3A_19, %eq3A_70 : vector<1024x32xi32>
      %get3A_72 = arith.constant 0 : index
      %get3A_73 = arith.constant 0 : index
      %get3A_74 = vector.load %arg7[%get3A_72, %get3A_73] : memref<1024x32xi32, #tpu.memory_space<vmem>>, vector<1024x32xi32>
      %broadcast_in_dim3A_75 = vector.shape_cast %broadcast_in_dim3A_47 : vector<1024x1xi32> to vector<1024x1xi32>
      %broadcast_in_dim3A_76 = vector.broadcast %broadcast_in_dim3A_75 : vector<1024x1xi32> to vector<1024x32xi32>
      %select_n3A_77 = arith.select %eq3A_71, %broadcast_in_dim3A_76, %get3A_74 : vector<1024x32xi1>, vector<1024x32xi32>
      %swap3A_78 = arith.constant 0 : index
      %swap3A_79 = arith.constant 0 : index
      %swap3A_80 = vector.load %arg7[%swap3A_78, %swap3A_79] : memref<1024x32xi32, #tpu.memory_space<vmem>>, vector<1024x32xi32>
      tpu.vector_store %arg7[%swap3A_78, %swap3A_79], %select_n3A_77 {strides = array<i32>} : memref<1024x32xi32, #tpu.memory_space<vmem>>, vector<1024x32xi32>,
      %add3A_81 = arith.constant 1 : i32
      %add3A_82 = arith.addi %while3A_38, %add3A_81 : i32
      %reduce_max3A_83 = arith.constant dense<0xFF800000> : vector<1024xf32>
      %reduce_max3A_84 = vector.multi_reduction <maximumf>, %select_n3A_52, %reduce_max3A_83 [1] : vector<1024x2048xf32> to vector<1024xf32>
      %broadcast_in_dim3A_85 = vector.shape_cast %reduce_max3A_84 : vector<1024xf32> to vector<1024x1xf32>
      scf.yield %add3A_82, %broadcast_in_dim3A_85 : i32, vector<1024x1xf32>
    }
    %gt3A = arith.constant 0 : i32
    %gt3A_29 = arith.cmpi sgt, %while3A_28#0, %gt3A : i32
    %convert_element_type3A_30 = arith.extui %gt3A_29 : i1 to i32
    %cond3A_31 = arith.constant 0 : i32
    %cond3A_32 = arith.cmpi ne, %convert_element_type3A_30, %cond3A_31 : i32
    scf.if %cond3A_32 {
      %broadcast_in_dim3A_38 = arith.constant 0xFF800000 : f32
      %broadcast_in_dim3A_39 = vector.broadcast %broadcast_in_dim3A_38 : f32 to vector<1024x16xf32>
      %swap3A = arith.constant 0 : index
      %swap3A_40 = arith.constant 0 : index
      %swap3A_41 = vector.load %arg8[%swap3A, %swap3A_40] : memref<1024x16xf32, #tpu.memory_space<vmem>>, vector<1024x16xf32>
      tpu.vector_store %arg8[%swap3A, %swap3A_40], %broadcast_in_dim3A_39 {strides = array<i32>} : memref<1024x16xf32, #tpu.memory_space<vmem>>, vector<1024x16xf32>,
      %broadcast_in_dim3A_42 = arith.constant 2147483647 : i32
      %broadcast_in_dim3A_43 = vector.broadcast %broadcast_in_dim3A_42 : i32 to vector<1024x16xi32>
      %swap3A_44 = arith.constant 0 : index
      %swap3A_45 = arith.constant 0 : index
      %swap3A_46 = vector.load %arg9[%swap3A_44, %swap3A_45] : memref<1024x16xi32, #tpu.memory_space<vmem>>, vector<1024x16xi32>
      tpu.vector_store %arg9[%swap3A_44, %swap3A_45], %broadcast_in_dim3A_43 {strides = array<i32>} : memref<1024x16xi32, #tpu.memory_space<vmem>>, vector<1024x16xi32>,
      %scan3A = arith.constant 0 : i32
      %scan3A_47 = arith.constant 10 : i32
      %scan3A_48 = arith.addi %scan3A, %scan3A_47 : i32
      %scan3A_49 = arith.constant 1 : i32
      scf.for %scan3A_68 = %scan3A to %scan3A_48 step %scan3A_49  : i32 {
        %get3A_69 = arith.constant 0 : index
        %get3A_70 = arith.constant 0 : index
        %get3A_71 = vector.load %arg6[%get3A_69, %get3A_70] : memref<1024x32xf32, #tpu.memory_space<vmem>>, vector<1024x32xf32>
        %get3A_72 = arith.constant 0 : index
        %get3A_73 = arith.constant 0 : index
        %get3A_74 = vector.load %arg7[%get3A_72, %get3A_73] : memref<1024x32xi32, #tpu.memory_space<vmem>>, vector<1024x32xi32>
        %reduce_max3A_75 = arith.constant dense<0xFF800000> : vector<1024xf32>
        %reduce_max3A_76 = vector.multi_reduction <maximumf>, %get3A_71, %reduce_max3A_75 [1] : vector<1024x32xf32> to vector<1024xf32>
        %broadcast_in_dim3A_77 = vector.shape_cast %reduce_max3A_76 : vector<1024xf32> to vector<1024x1xf32>
        %eq3A_78 = vector.broadcast %broadcast_in_dim3A_77 : vector<1024x1xf32> to vector<1024x32xf32>
        %eq3A_79 = arith.cmpf oeq, %get3A_71, %eq3A_78 : vector<1024x32xf32>
        %jit3A = arith.constant 2147483647 : i32
        %broadcast_in_dim3A_80 = vector.broadcast %jit3A : i32 to vector<1024x32xi32>
        %select_n3A = arith.select %eq3A_79, %get3A_74, %broadcast_in_dim3A_80 : vector<1024x32xi1>, vector<1024x32xi32>
        %reduce_min3A = arith.constant dense<2147483647> : vector<1024xi32>
        %reduce_min3A_81 = vector.multi_reduction <minsi>, %select_n3A, %reduce_min3A [1] : vector<1024x32xi32> to vector<1024xi32>
        %broadcast_in_dim3A_82 = vector.shape_cast %reduce_min3A_81 : vector<1024xi32> to vector<1024x1xi32>
        %eq3A_83 = vector.broadcast %broadcast_in_dim3A_82 : vector<1024x1xi32> to vector<1024x32xi32>
        %eq3A_84 = arith.cmpi eq, %get3A_74, %eq3A_83 : vector<1024x32xi32>
        %jit3A_85 = arith.constant 0xFF800000 : f32
        %broadcast_in_dim3A_86 = vector.broadcast %jit3A_85 : f32 to vector<1024x32xf32>
        %select_n3A_87 = arith.select %eq3A_84, %broadcast_in_dim3A_86, %get3A_71 : vector<1024x32xi1>, vector<1024x32xf32>
        %swap3A_88 = arith.constant 0 : index
        %swap3A_89 = arith.constant 0 : index
        %swap3A_90 = vector.load %arg6[%swap3A_88, %swap3A_89] : memref<1024x32xf32, #tpu.memory_space<vmem>>, vector<1024x32xf32>
        tpu.vector_store %arg6[%swap3A_88, %swap3A_89], %select_n3A_87 {strides = array<i32>} : memref<1024x32xf32, #tpu.memory_space<vmem>>, vector<1024x32xf32>,
        %eq3A_91 = vector.broadcast %scan3A_68 : i32 to vector<1024x16xi32>
        %eq3A_92 = arith.cmpi eq, %iota3A_20, %eq3A_91 : vector<1024x16xi32>
        %get3A_93 = arith.constant 0 : index
        %get3A_94 = arith.constant 0 : index
        %get3A_95 = vector.load %arg8[%get3A_93, %get3A_94] : memref<1024x16xf32, #tpu.memory_space<vmem>>, vector<1024x16xf32>
        %broadcast_in_dim3A_96 = vector.shape_cast %broadcast_in_dim3A_77 : vector<1024x1xf32> to vector<1024x1xf32>
        %broadcast_in_dim3A_97 = vector.broadcast %broadcast_in_dim3A_96 : vector<1024x1xf32> to vector<1024x16xf32>
        %select_n3A_98 = arith.select %eq3A_92, %broadcast_in_dim3A_97, %get3A_95 : vector<1024x16xi1>, vector<1024x16xf32>
        %swap3A_99 = arith.constant 0 : index
        %swap3A_100 = arith.constant 0 : index
        %swap3A_101 = vector.load %arg8[%swap3A_99, %swap3A_100] : memref<1024x16xf32, #tpu.memory_space<vmem>>, vector<1024x16xf32>
        tpu.vector_store %arg8[%swap3A_99, %swap3A_100], %select_n3A_98 {strides = array<i32>} : memref<1024x16xf32, #tpu.memory_space<vmem>>, vector<1024x16xf32>,
        %eq3A_102 = vector.broadcast %scan3A_68 : i32 to vector<1024x16xi32>
        %eq3A_103 = arith.cmpi eq, %iota3A_20, %eq3A_102 : vector<1024x16xi32>
        %get3A_104 = arith.constant 0 : index
        %get3A_105 = arith.constant 0 : index
        %get3A_106 = vector.load %arg9[%get3A_104, %get3A_105] : memref<1024x16xi32, #tpu.memory_space<vmem>>, vector<1024x16xi32>
        %broadcast_in_dim3A_107 = vector.shape_cast %broadcast_in_dim3A_82 : vector<1024x1xi32> to vector<1024x1xi32>
        %broadcast_in_dim3A_108 = vector.broadcast %broadcast_in_dim3A_107 : vector<1024x1xi32> to vector<1024x16xi32>
        %select_n3A_109 = arith.select %eq3A_103, %broadcast_in_dim3A_108, %get3A_106 : vector<1024x16xi1>, vector<1024x16xi32>
        %swap3A_110 = arith.constant 0 : index
        %swap3A_111 = arith.constant 0 : index
        %swap3A_112 = vector.load %arg9[%swap3A_110, %swap3A_111] : memref<1024x16xi32, #tpu.memory_space<vmem>>, vector<1024x16xi32>
        tpu.vector_store %arg9[%swap3A_110, %swap3A_111], %select_n3A_109 {strides = array<i32>} : memref<1024x16xi32, #tpu.memory_space<vmem>>, vector<1024x16xi32>,
      }
      %scan3A_50 = arith.constant 10 : i32
      %get3A_51 = arith.constant 0 : index
      %get3A_52 = arith.constant 0 : index
      %get3A_53 = vector.load %arg8[%get3A_51, %get3A_52] : memref<1024x16xf32, #tpu.memory_space<vmem>>, vector<1024x16xf32>
      %broadcast_in_dim3A_54 = arith.constant 0xFF800000 : f32
      %broadcast_in_dim3A_55 = vector.broadcast %broadcast_in_dim3A_54 : f32 to vector<1024x16xf32>
      %concatenate3A = tpu.concatenate %get3A_53, %broadcast_in_dim3A_55 in 1 : vector<1024x16xf32>, vector<1024x16xf32> -> vector<1024x32xf32>
      %swap3A_56 = arith.constant 0 : index
      %swap3A_57 = arith.constant 0 : index
      %swap3A_58 = vector.load %arg6[%swap3A_56, %swap3A_57] : memref<1024x32xf32, #tpu.memory_space<vmem>>, vector<1024x32xf32>
      tpu.vector_store %arg6[%swap3A_56, %swap3A_57], %concatenate3A {strides = array<i32>} : memref<1024x32xf32, #tpu.memory_space<vmem>>, vector<1024x32xf32>,
      %get3A_59 = arith.constant 0 : index
      %get3A_60 = arith.constant 0 : index
      %get3A_61 = vector.load %arg9[%get3A_59, %get3A_60] : memref<1024x16xi32, #tpu.memory_space<vmem>>, vector<1024x16xi32>
      %broadcast_in_dim3A_62 = arith.constant 2147483647 : i32
      %broadcast_in_dim3A_63 = vector.broadcast %broadcast_in_dim3A_62 : i32 to vector<1024x16xi32>
      %concatenate3A_64 = tpu.concatenate %get3A_61, %broadcast_in_dim3A_63 in 1 : vector<1024x16xi32>, vector<1024x16xi32> -> vector<1024x32xi32>
      %swap3A_65 = arith.constant 0 : index
      %swap3A_66 = arith.constant 0 : index
      %swap3A_67 = vector.load %arg7[%swap3A_65, %swap3A_66] : memref<1024x32xi32, #tpu.memory_space<vmem>>, vector<1024x32xi32>
      tpu.vector_store %arg7[%swap3A_65, %swap3A_66], %concatenate3A_64 {strides = array<i32>} : memref<1024x32xi32, #tpu.memory_space<vmem>>, vector<1024x32xi32>,
    } else {
    }
    %eq3A_33 = arith.constant 48 : i32
    %eq3A_34 = arith.cmpi eq, %arg1, %eq3A_33 : i32
    %convert_element_type3A_35 = arith.extui %eq3A_34 : i1 to i32
    %cond3A_36 = arith.constant 0 : i32
    %cond3A_37 = arith.cmpi ne, %convert_element_type3A_35, %cond3A_36 : i32
    scf.if %cond3A_37 {
      %get3A_38 = arith.constant 0 : index
      %get3A_39 = arith.constant 0 : index
      %get3A_40 = vector.load %arg9[%get3A_38, %get3A_39] : memref<1024x16xi32, #tpu.memory_space<vmem>>, vector<1024x16xi32>
      %lt3A_41 = arith.constant 10 : i32
      %lt3A_42 = vector.broadcast %lt3A_41 : i32 to vector<1024x16xi32>
      %lt3A_43 = arith.cmpi slt, %iota3A_20, %lt3A_42 : vector<1024x16xi32>
      %slice3A = vector.extract_strided_slice %get3A_40 {offsets = [0, 0], sizes = [1024, 1], strides = [1, 1]} : vector<1024x16xi32> to vector<1024x1xi32>
      %broadcast_in_dim3A_44 = vector.shape_cast %slice3A : vector<1024x1xi32> to vector<1024x1xi32>
      %broadcast_in_dim3A_45 = vector.broadcast %broadcast_in_dim3A_44 : vector<1024x1xi32> to vector<1024x16xi32>
      %select_n3A = arith.select %lt3A_43, %get3A_40, %broadcast_in_dim3A_45 : vector<1024x16xi1>, vector<1024x16xi32>
      %swap3A = arith.constant 0 : index
      %swap3A_46 = arith.constant 0 : index
      %swap3A_47 = vector.load %arg4[%swap3A, %swap3A_46] : memref<1024x16xi32, #tpu.memory_space<vmem>>, vector<1024x16xi32>
      tpu.vector_store %arg4[%swap3A, %swap3A_46], %select_n3A {strides = array<i32>} : memref<1024x16xi32, #tpu.memory_space<vmem>>, vector<1024x16xi32>,
    } else {
    }
    return
  }
  func.func @transform_0(%arg0: i32, %arg1: i32) -> (i32, i32) {
    %c0_i32 = arith.constant 0 : i32
    %c0_i32_0 = arith.constant 0 : i32
    return %arg0, %c0_i32 : i32, i32
  }
  func.func @transform_1(%arg0: i32, %arg1: i32) -> (i32, i32) {
    %c0_i32 = arith.constant 0 : i32
    %c0_i32_0 = arith.constant 0 : i32
    return %arg1, %c0_i32 : i32, i32
  }
  func.func @transform_2(%arg0: i32, %arg1: i32) -> (i32, i32) {
    %c0_i32 = arith.constant 0 : i32
    %c0_i32_0 = arith.constant 0 : i32
    return %arg0, %c0_i32 : i32, i32
  }
}

</mosaic_0001>

<sc_bundles>
// kernel: kernel.4.cloned.1.call-start
scs
__scs_entry_jumppad:
0x0: {  	(pc) =	sbr.rel $0x88, $3  }
0x1: {  	(tag) =	ssettag $0x0;
	lr =	simm.s32 $0x1  }
0x2: {  	[smem:$0x3F9E] =	sst lr;
	_ =	strace $0xD0000000  }
0x3: {  	_ = 	snop  }
0x4: {  	_ = 	snop  }
0x5: {  	_ = 	snop  }
0x6: {  	_ = 	snop  }
0x7: {  	_ = 	snop  }
__scs_overlays_trampoline_lowered:
0x8: {  	[smem:$0x3FAD] =	sst s0  }
0x9: {  	[smem:$0x3FAE] =	sst s1  }
0xa: {  	[smem:$0x3FAF] =	sst s2  }
0xb: {  	[smem:$0x3FB0] =	sst s3  }
0xc: {  	[smem:$0x3FB1] =	sst s4  }
0xd: {  	[smem:$0x3FB2] =	sst s5  }
0xe: {  	[smem:$0x3FB3] =	sst s6  }
0xf: {  	[smem:$0x3FB4] =	sst s7  }
0x10: {  	[smem:$0x3FB5] =	sst s8  }
0x11: {  	[smem:$0x3FB6] =	sst s9;
	s0 =	simm.s32 @!p0 $0x0  }
0x12: {  	s1 =	sld [smem:$0x3F9C];
	s0 =	simm.s32 @p0 $0x1  }
0x13: {  	[smem:$0x3FB7] =	sst s0;
	s0 =	simm.s32 @!p1 $0x0  }
0x14: {  	s2 =	sld [smem:$0x3F9B];
	s0 =	simm.s32 @p1 $0x1  }
0x15: {  	[smem:$0x3FB8] =	sst s0;
	s0 =	simm.s32 @!p2 $0x0  }
0x16: {  	s3 =	sld [smem:$0x3FDB];
	s0 =	simm.s32 @p2 $0x1  }
0x17: {  	s4 =	simm.s32 $0x1BF5;
	[smem:$0x3FBA] =	sst s0  }
0x18: {  	s0 =	sld [smem:$0x3F9D];
	_ =	swait.ge [sflag:s4], $0x0  }
0x19: {  	s7 =	sld [smem:$0x3F9E]  }
0x1a: {  	s8 =	sadd.s32 $0xFFFFE003, lr  }
0x1b: {  	s9 =	sadd.s32 $0xFFFFFEF7, lr;
	s5 =	simm.s32 $0xFFFFFFFF;
	p2 =	slt.u32 s8, $0xFFFFF086  }
0x1c: {  	p1 =	slt.u32 s9, $0xF7A;
	s5 =	simm.s32 @!p2 $0x0  }
0x1d: {  	s5 =	simm.s32 @p1 $0x1;
	p0 =	seq.s32 s7, s2  }
0x1e: {  	s7 =	smul.u32 @!p0 $0xF7A, s2;
	p2 =	seq.s32 @!p0 s5, $0x0  }
0x1f: {  	s9 =	smul.u32 $0xF7A, s1;
	s8 =	simm.s32 @!p0 $0x1BF5;
	p2 =	por !p2, p0  }
0x20: {  	[sflag:s8] =	ssyncset.s32 @!p0 $0xFFFFF086;
	s6 =	sadd.s32 @!p0 s3, s7;
	s7 =	simm.s32 @!p0 $0x108  }
0x21: {  	s3 =	sadd.s32 s3, s9;
	s6 =	sadd.s32 @!p0 $0x88, s6;
	s7 =	simm.s32 @p2 $0x1082  }
0x22: {  	[simem:s7], [sflag:s8] =	dma.local @!p0 [hbm:s6], $0xF7A  }
0x23: {  	s9 =	sor.u32 $0xD0000000, s2;
	s6 =	simm.s32 $0x108;
	_ =	swait.ge @!p0 [sflag:s8], $0x0  }
0x24: {  	s3 =	sadd.s32 $0x88, s3;
	s6 =	simm.s32 @!p1 $0x1082;
	[sflag:s4] =	ssyncset.s32 $0xFFFFF086  }
0x25: {  	[simem:s6], [sflag:s4] =	dma.local [hbm:s3], $0xF7A  }
0x26: {  	[smem:$0x3F9E] =	sst s1;
	(tag) =	ssettag s2;
	_ =	strace s9  }
0x27: {  	s1 =	sld [smem:$0x3FAE]  }
0x28: {  	s2 =	sld [smem:$0x3FAF]  }
0x29: {  	s4 =	sld [smem:$0x3FB1]  }
0x2a: {  	p0 =	seq.s32 s5, $0x0;
	s5 =	sld [smem:$0x3FB2]  }
0x2b: {  	s6 =	sld [smem:$0x3FB3]  }
0x2c: {  	s7 =	sld [smem:$0x3FB4]  }
0x2d: {  	s3 =	simm.s32 $0x108;
	s8 =	sld [smem:$0x3FB5]  }
0x2e: {  	s3 =	simm.s32 @!p0 $0x1082;
	s9 =	sld [smem:$0x3FB6]  }
0x2f: {  	lr =	sadd.s32 s0, s3;
	s0 =	sld [smem:$0x3FAD]  }
0x30: {  	s3 =	sld [smem:$0x3FB0]  }
0x31: {  	[smem:$0x3FB9] =	sst s10  }
0x32: {  	s10 =	sld [smem:$0x3FB7];
	_ =	sdelay $0x3  }
0x33: {  	p0 =	seq.s32 s10, $0x1;
	s10 =	sld [smem:$0x3FB9];
	_ =	sdelay $0x3  }
0x34: {  	[smem:$0x3FB9] =	sst s10  }
0x35: {  	s10 =	sld [smem:$0x3FB8];
	_ =	sdelay $0x3  }
0x36: {  	p1 =	seq.s32 s10, $0x1;
	s10 =	sld [smem:$0x3FB9];
	_ =	sdelay $0x3  }
0x37: {  	[smem:$0x3FB9] =	sst s10  }
0x38: {  	s10 =	sld [smem:$0x3FBA]  }
0x39: {  	_ = 	snop;
	(pc) =	sbr.ind lr, $3  }
0x3a: {  	_ = 	snop  }
0x3b: {  	_ = 	snop  }
0x3c: {  	p2 =	seq.s32 s10, $0x1;
	s10 =	sld [smem:$0x3FB9]  }
0x3d: {  	_ =	shalt  }
0x3e: {  	_ =	shalt  }
0x3f: {  	_ =	shalt  }
0x40: {  	_ =	shalt  }
0x41: {  	_ =	shalt  }
0x42: {  	_ =	shalt  }
0x43: {  	_ =	shalt  }
0x44: {  	_ =	shalt  }
0x45: {  	_ =	shalt  }
0x46: {  	_ =	shalt  }
0x47: {  	_ =	shalt  }
0x48: {  	_ =	shalt  }
0x49: {  	_ =	shalt  }
0x4a: {  	_ =	shalt  }
0x4b: {  	_ =	shalt  }
0x4c: {  	_ =	shalt  }
0x4d: {  	_ =	shalt  }
0x4e: {  	_ =	shalt  }
0x4f: {  	_ =	shalt  }
0x50: {  	_ =	shalt  }
0x51: {  	_ =	shalt  }
0x52: {  	_ =	shalt  }
0x53: {  	_ =	shalt  }
0x54: {  	_ =	shalt  }
0x55: {  	_ =	shalt  }
0x56: {  	_ =	shalt  }
0x57: {  	_ =	shalt  }
0x58: {  	_ =	shalt  }
0x59: {  	_ =	shalt  }
0x5a: {  	_ =	shalt  }
0x5b: {  	_ =	shalt  }
0x5c: {  	_ =	shalt  }
0x5d: {  	_ =	shalt  }
0x5e: {  	_ =	shalt  }
0x5f: {  	_ =	shalt  }
0x60: {  	_ =	shalt  }
0x61: {  	_ =	shalt  }
0x62: {  	_ =	shalt  }
0x63: {  	_ =	shalt  }
0x64: {  	_ =	shalt  }
0x65: {  	_ =	shalt  }
0x66: {  	_ =	shalt  }
0x67: {  	_ =	shalt  }
0x68: {  	_ =	shalt  }
0x69: {  	_ =	shalt  }
0x6a: {  	_ =	shalt  }
0x6b: {  	_ =	shalt  }
0x6c: {  	_ =	shalt  }
0x6d: {  	_ =	shalt  }
0x6e: {  	_ =	shalt  }
0x6f: {  	_ =	shalt  }
0x70: {  	_ =	shalt  }
0x71: {  	_ =	shalt  }
0x72: {  	_ =	shalt  }
0x73: {  	_ =	shalt  }
0x74: {  	_ =	shalt  }
0x75: {  	_ =	shalt  }
0x76: {  	_ =	shalt  }
0x77: {  	_ =	shalt  }
0x78: {  	_ =	shalt  }
0x79: {  	_ =	shalt  }
0x7a: {  	_ =	shalt  }
0x7b: {  	_ =	shalt  }
0x7c: {  	_ =	shalt  }
0x7d: {  	_ =	shalt  }
0x7e: {  	_ =	shalt  }
0x7f: {  	_ =	shalt  }
0x80: {  	_ =	shalt  }
0x81: {  	_ =	shalt  }
0x82: {  	_ =	shalt  }
0x83: {  	_ =	shalt  }
0x84: {  	_ =	shalt  }
0x85: {  	_ =	shalt  }
0x86: {  	_ =	shalt  }
0x87: {  	_ =	shalt  }
.Lfunc_end0:
.L_simem_size_0:
called_computation_lowered:
.L_overlay_start_0:
0x88: {  	s2 =	sld [smem:$0x3FD9]  }
0x89: {  	s3 =	sld [smem:$0x3FFE];
	_ =	sdelay $0x1  }
0x8a: {  	s1 =	srdreg.scid  }
0x8b: {  	s0 =	sand.u32 $0x1, s1  }
0x8c: {  	s17 =	sshll.u32 s0, $0xA;
	s2 =	sadd.s32 s3, s2  }
0x8d: {  	s2 =	sadd.s32 s2, s17  }
0x8e: {  	[smem:$0x3FC5] =	sst s2  }
0x8f: {  	_ = 	snop  }
0x90: {  	s2 =	sld [smem:$0x3FC7]  }
0x91: {  	s18 =	sld [smem:$0x3FD0];
	(tm) =	ssettm $0x1  }
0x92: {  	s4 =	sld [smem:$0x3FFB];
	_ =	sdelay $0x3  }
0x93: {  	_ =	strace s4  }
0x94: {  	s4 =	sld [smem:$0x3FFC];
	_ =	sdelay $0x3  }
0x95: {  	_ =	strace s4  }
0x96: {  	s4 =	sld [smem:$0x3FFD];
	_ =	sdelay $0x3  }
0x97: {  	_ =	strace s4  }
0x98: {  	_ =	strace $0x8FFFFFFF  }
0x99: {  	s19 =	sld [smem:$0x3FDB];
	_ =	sdelay $0x1  }
0x9a: {  	s5 =	simm.s32 $_scs_section_size  }
0x9b: {  	s6 =	simm.s32 $_size__tile_overlayer_lowered;
	s7 =	simm.s32 $_tile_overlayer_lowered  }
0x9c: {  	s22 =	simm.s32 $0x1BFF;
	s21 =	sshll.u32 s7, $0x1;
	s4 =	sadd.s32 s5, s19  }
0x9d: {  	s8 =	simm.s32 $0x0;
	s20 =	sshll.u32 s6, $0x1;
	s6 =	sadd.s32 s21, s4  }
0x9e: {  	[timem:s8], [sflag:s22] =	dma.local [hbm:s6], s20  }
0x9f: {  	_ =	swait.ge [sflag:s22], s20  }
0xa0: {  	s5 =	ssub.s32 $0x0, s20;
	[sflag:s22] =	ssyncset.done $0x0  }
0xa1: {  	[sflag:s22] =	ssyncadd.s32 s5;
	_ =	sdelay $0x1  }
0xa2: {  	s23 =	simm.s32 $0x1B8B  }
0xa3: {  	_ =	swait.ge [sflag:s23], $0x1  }
0xa4: {  	[sflag:s23] =	ssyncset.done $0x0  }
0xa5: {  	s25 =	simm.s32 $0x1B8E;
	s24 =	sld [smem:$0x3FFE];
	[sflag:s23] =	ssyncadd.s32 $0xFFFFFFFF  }
0xa6: {  	s26 =	simm.s32 $execute0_lowered;
	[smem:$0x3FD2] =	sst s25  }
0xa7: {  	s6 =	sshll.u32 s26, $0x1;
	_ =	strace $0x80000046;
	[dreg:$0x1] =	wrdreg $0xFFFFFFFF  }
0xa8: {  	s28 =	simm.s32 $_size_execute0_lowered;
	s4 =	sadd.s32 s4, s6;
	[dreg:$0x0] =	wrdreg $0x0  }
0xa9: {  	s6 =	sshll.u32 s28, $0x1;
	[dreg:$0x2] =	wrdreg s4  }
0xaa: {  	[dreg:$0x3] =	wrdreg s6  }
0xab: {  	[dreg:$0x4] =	wrdreg $0xC0  }
0xac: {  	_ =	task [dreg:s8], $0x5FFFF  }
0xad: {  	[dreg:$0x1] =	wrdreg $0xFFFFFFFF  }
0xae: {  	[dreg:$0x0] =	wrdreg $0x60  }
0xaf: {  	[dreg:$0x2] =	wrdreg s18  }
0xb0: {  	[dreg:$0x3] =	wrdreg s2  }
0xb1: {  	[dreg:$0x4] =	wrdreg s24  }
0xb2: {  	[dreg:$0x5] =	wrdreg $0x9  }
0xb3: {  	_ =	task.clear_ibuf [dreg:s8], $0x6FFFF;
	_ =	strace $0x90000046  }
0xb4: {  	s29 =	simm.s32 $0x9;
	_ =	strace $0x80000048  }
0xb5: {  	_ =	swait.ge [sflag:s29], $0x1  }
0xb6: {  	[sflag:s29] =	ssyncadd.s32 $0xFFFFFFFF  }
0xb7: {  	_ =	strace $0x90000048  }
0xb8: {  	_ =	sfence  }
0xb9: {  	s30 =	sld [smem:$0x0];
	_ =	sdelay $0x2  }
0xba: {  	s31 =	sshll.u32 s1, $0xD;
	s1 =	sshrl.u32 s1, $0x2  }
0xbb: {  	s3 =	sand.u32 $0x4000, s31;
	s1 =	sadd.s32 s1, s30  }
0xbc: {  	s0 =	sor.u32 s3, s0;
	s1 =	sshll.u32 s1, $0x11  }
0xbd: {  	s0 =	sor.u32 s1, s0  }
0xbe: {  	s0 =	sadd.s32 $0x8F2B, s0  }
0xbf: {  	[sflag:s0] =	ssyncadd.remote.s32 $0x1  }
0xc0: {  	_ =	sfence.sel $0xFFFF  }
0xc1: {  	[dreg:$0x0] =	wrdreg $0xFFFFFFFF;
	(pc) =	sbr.abs _section_cstart, $3  }
0xc2: {  	[dreg:$0x1] =	wrdreg $0xFFFFFFFF  }
0xc3: {  	_ =	task.clear_ibuf [dreg:s8], $0x2FFFF;
	_ =	strace $0x9FFFFFFF  }
0xc4: {  	(tm) =	ssettm $0x7FFFFFFF  }
0xc5: {  	_ =	shalt  }
tec
execute0_lowered:
.L_overlay_start_1:
0x0: {  	(tag) =	ssettag $0x1  }
0x1: {  	s5 =	rddreg [dreg:$0x0]  }
0x2: {  	s1 =	rddreg [dreg:$0x1]  }
0x3: {  	s3 =	rddreg [dreg:$0x2]  }
0x4: {  	s0 =	rddreg [dreg:$0x3]  }
0x5: {  	s2 =	simm.s32 $0x0;
	s4 =	srdreg.scid;
	s11 =	simm.s32 $0x80  }
0x6: {  	s12 =	simm.s32 $0x400;
	s13 =	simm.s32 $0x0;
	[smem:$0x7FF] =	sst s2  }
0x7: {  	s6 =	sand.u32 $0x1, s4;
	s4 =	sadd.s32 $0x200, s3;
	s3 =	stileid.u32  }
0x8: {  	_ =	strace $0x80000047;
	s7 =	ssub.s32 $0x2, s6;
	s30 =	sshll.u32 s3, $0xA  }
0x9: {  	s9 =	sshll.u32 s6, $0x9;
	s31 =	sshll.u32 s3, $0xD;
	s8 =	sshrl.u32 s7, $0x1  }
0xa: {  	s10 =	sshll.u32 s6, $0xC;
	s7 =	ssub.s32 s7, s8;
	s8 =	sor.u32 s9, s30  }
0xb: {  	s9 =	simm.s32 $0x18700;
	s5 =	sadd.s32 s5, s8;
	s6 =	smax.u32 s7, $0x1  }
0xc: {  	v0 =	vimm.f32 $0.0e+00;
	v1 =	vimm.f32 $1.000000000e+00;
	s7 =	sor.u32 s10, s31;
	s8 =	simm.s32 $0x1;
	s10 =	simm.s32 $0x19700  }
.LBB2_1:
0xd: {  	[tilespmem:s2], [sflag:$0x1] =	stream.linear.gather [hbm4b:s1+s2], $0x18700, $0x38;
	[tilespmem:$0x19B00] =	vst v63  }
0xe: {  	_ =	swait.ge [sflag:s8], $0x18700  }
0xf: {  	[sflag:s8] =	ssyncset.done $0x0  }
0x10: {  	[sflag:s8] =	ssyncadd.s32 $0xFFFE7900  }
0x11: {  	[tilespmem:s9], [sflag:$0x1] =	stream.linear.gather [hbm4b:s5+s2], $0x1000, $0x38;
	[tilespmem:$0x19B00] =	vst v63  }
0x12: {  	_ =	swait.ge [sflag:s8], $0x1000  }
0x13: {  	[sflag:s8] =	ssyncset.done $0x0  }
0x14: {  	s14 =	simm.s32 $0x0;
	[sflag:s8] =	ssyncadd.s32 $0xFFFFF000  }
.LBB2_2:
0x15: {  	p0 =	sne.s32 s14, $0xFC0  }
.Ltmp0:
0x16: {  	_ = 	snop;
	(pc) =	sbr.rel @p0 .LBB2_2-.Ltmp0, $3  }
0x17: {  	_ =	sdelay $0x1  }
0x18: {  	s15 =	sshra.s32 s14, $0x2  }
0x19: {  	s14 =	sadd.s32 $0x40, s14;
	[tilespmem:s15+$0x19700] =	vst v0  }
0x1a: {  	s14 =	simm.s32 $0x18700  }
0x1b: {  	v2 =	vld [tilespmem:s14+$0x0];
	_ =	sdelay $0x7  }
0x1c: {  	v2 =	vld.idx.msk [tilespmem:v2+s2+$0x0], $0xffff;
	_ =	sdelay $0x4  }
0x1d: {  	s15 =	simm.s32 $0x0  }
0x1e: {  	s15 =	sand.u32 $0x70, s15  }
0x1f: {  	s16 =	sand.u32 $0x1FC00, s7;
	s15 =	sadd.s32 s4, s15  }
0x20: {  	s15 =	sadd.s32 s16, s15;
	[tilespmem:v2+s10+$0x0] =	vst.idx.msk $0xffff, v1  }
0x21: {  	[hbm4b:s15+s11] =	stream.strided.scatter [tilespmem:s10], [sflag:$0x1], $0x400, s12, s11, $0x38;
	[tilespmem:$0x19B00] =	vst v63  }
0x22: {  	_ =	swait.ge [sflag:s8], $0x400  }
0x23: {  	[sflag:s8] =	ssyncset.done $0x0  }
0x24: {  	s16 =	smov.u32 s7;
	s15 =	simm.s32 $0x10;
	[sflag:s8] =	ssyncadd.s32 $0xFFFFFC00  }
.LBB2_4:
0x25: {  	p0 =	sne.s32 s15, $0x1F0;
	[tilespmem:v2+s10+$0x0] =	vst.idx.msk $0xffff, v0;
	s14 =	sadd.s32 $0x80, s14;
	s16 =	sadd.s32 $0x80, s16  }
0x26: {  	s17 =	smov.u32 s15;
	s15 =	sadd.s32 $0x10, s15;
	v2 =	vld [tilespmem:s14+$0x0];
	_ =	sdelay $0x7  }
0x27: {  	v2 =	vld.idx.msk [tilespmem:v2+s2+$0x0], $0xffff;
	_ =	sdelay $0x5  }
0x28: {  	s17 =	sand.u32 $0x70, s17  }
0x29: {  	s18 =	sand.u32 $0x1FC00, s16;
	s17 =	sadd.s32 s4, s17  }
.Ltmp1:
0x2a: {  	s17 =	sadd.s32 s18, s17;
	[tilespmem:v2+s10+$0x0] =	vst.idx.msk $0xffff, v1;
	(pc) =	sbr.rel @p0 .LBB2_4-.Ltmp1, $4  }
0x2b: {  	[hbm4b:s17+s11] =	stream.strided.scatter [tilespmem:s10], [sflag:$0x1], $0x400, s12, s11, $0x38;
	[tilespmem:$0x19B00] =	vst v63  }
0x2c: {  	_ =	swait.ge [sflag:s8], $0x400  }
0x2d: {  	[sflag:s8] =	ssyncset.done $0x0  }
0x2e: {  	[sflag:s8] =	ssyncadd.s32 $0xFFFFFC00  }
0x2f: {  	s13 =	sadd.s32 $0x1, s13  }
0x30: {  	p0 =	sne.s32 s13, s6  }
.Ltmp2:
0x31: {  	_ = 	snop;
	(pc) =	sbr.rel @p0 .LBB2_1-.Ltmp2, $2  }
0x32: {  	_ =	sdelay $0x2  }
0x33: {  	[tilespmem:v2+s10+$0x0] =	vst.idx.msk $0xffff, v0  }
0x34: {  	_ =	sfence.sel $0x180000  }
0x35: {  	[bflag:$0x0] =	sbarrier.arrive $0xFFFF  }
0x36: {  	p0 =	sne.s32 s3, $0x0;
	_ =	strace $0x90000047  }
0x37: {  	s0 =	sadd.s32 @!p0 $0x100000, s0;
	[bflag:$0x2] =	sbarrier.arrive $0xFFFF  }
0x38: {  	[sflag:s0] =	ssyncadd.tile.s32 @!p0 $0x1;
	_ =	shalt  }
.Lfunc_end2:
_tile_overlayer_lowered:
.L_overlay_start_2:
0x39: {  	(tag) =	ssettag $0x2  }
0x3a: {  	s0 =	rddreg [dreg:$0x0];
	s2 =	stileid.u32  }
0x3b: {  	s1 =	rddreg [dreg:$0x1];
	p0 =	sne.s32 s2, $0x0  }
0x3c: {  	s3 =	rddreg [dreg:$0x2];
	[bflag:$0x3] =	sbarrier.arrive $0xFFFF;
	s2 =	simm.s32 @!p0 $0x1C01  }
0x3d: {  	[timem:s3], [sflag:s2] =	dma.local @!p0 [hbm:s0], s1  }
0x3e: {  	s0 =	simm.s32 @!p0 $0x1  }
0x3f: {  	_ =	swait.ge @!p0 [sflag:s0], s1  }
0x40: {  	s1 =	ssub.s32 @!p0 $0x0, s1;
	[sflag:s0] =	ssyncset.done @!p0 $0x0  }
0x41: {  	[sflag:s0] =	ssyncadd.s32 @!p0 s1  }
0x42: {  	[bflag:$0x3] =	sbarrier.arrive $0xFFFF  }
0x43: {  	_ =	shalt  }

</sc_bundles>
